<compile_context>
chip_gen: v7x
topology: tpu7x:2x2x1
jax: 0.10.2.dev20260603
libtpu: 0.0.44.dev20260713+nightly
codegen_flags: <defaults>
</compile_context>

<pallas_src>
import functools

import jax
import jax.numpy as jnp
from jax import lax
from jax.experimental import pallas as pl
from jax.experimental.pallas import tpu as pltpu
from jax.experimental.pallas import tpu_sc as plsc

BATCH = 4096
N_GROUPS = 26
INNER = 64
OUT = 128
N_TOK = 100000
K_DIM = N_GROUPS * INNER

NC = 2
NS = 16
NW = NC * NS
CH_PER_W = INNER // NW


def _gather_channel_major(xf, tablet):
    mesh = plsc.VectorSubcoreMesh(core_axis_name="c", subcore_axis_name="s")

    @functools.partial(
        pl.kernel,
        out_type=jax.ShapeDtypeStruct((K_DIM * BATCH,), jnp.float32),
        mesh=mesh,
        scratch_types=[
            pltpu.VMEM((N_TOK,), jnp.float32),
            pltpu.VMEM((BATCH,), jnp.int32),
            pltpu.VMEM((BATCH,), jnp.int32),
            pltpu.VMEM((BATCH,), jnp.float32),
            pltpu.VMEM((BATCH,), jnp.float32),
            pltpu.VMEM_SHARED((N_GROUPS * BATCH,), jnp.int32),
            pltpu.SemaphoreType.DMA,
            pltpu.SemaphoreType.DMA,
            pltpu.SemaphoreType.DMA,
            pltpu.SemaphoreType.DMA,
        ],
        compiler_params=pltpu.CompilerParams(needs_layout_passes=False),
    )
    def gather_kernel(xf_hbm, tablet_hbm, at_hbm, chan_v, iv0, iv1, ov0, ov1,
                      xf_s, is0, is1, os0, os1):
        wid = lax.axis_index("s") * NC + lax.axis_index("c")
        ivs, ovs = (iv0, iv1), (ov0, ov1)
        iss, oss = (is0, is1), (os0, os1)

        @pl.when(lax.axis_index("s") == 0)
        def _():
            pltpu.sync_copy(xf_hbm, xf_s)

        plsc.subcore_barrier()

        n_t = CH_PER_W * N_GROUPS
        pltpu.async_copy(xf_s.at[pl.ds(0, BATCH)], iv0, is0)

        def ubody(u, carry):
            for v in (0, 1):
                t = 2 * u + v
                g = lax.rem(t, N_GROUPS)
                ci = t // N_GROUPS
                c = wid * CH_PER_W + ci
                if v == 0:
                    @pl.when(lax.rem(u, N_GROUPS // 2) == 0)
                    def _():
                        pltpu.sync_copy(tablet_hbm.at[c], chan_v)

                pltpu.make_async_copy(
                    xf_s.at[pl.ds(0, BATCH)], ivs[v], iss[v]).wait()
                if v == 0:
                    pltpu.async_copy(
                        xf_s.at[pl.ds(lax.rem(t + 1, N_GROUPS) * BATCH,
                                      BATCH)], ivs[1], iss[1])
                else:
                    @pl.when(t + 1 < n_t)
                    def _():
                        pltpu.async_copy(
                            xf_s.at[pl.ds(lax.rem(t + 1, N_GROUPS) * BATCH,
                                          BATCH)], ivs[0], iss[0])

                @pl.when(t >= 2)
                def _():
                    pltpu.make_async_copy(
                        ovs[v], at_hbm.at[pl.ds(0, BATCH)], oss[v]).wait()

                idx_v, out_v = ivs[v], ovs[v]

                @plsc.parallel_loop(0, BATCH, step=16, unroll=16)
                def chunk(i):
                    idx16 = idx_v[pl.ds(i, 16)]
                    out_v[pl.ds(i, 16)] = plsc.load_gather(chan_v, [idx16])

                pltpu.async_copy(
                    out_v, at_hbm.at[pl.ds((g * INNER + c) * BATCH, BATCH)],
                    oss[v])
            return carry

        lax.fori_loop(0, n_t // 2, ubody, 0)
        for v in (0, 1):
            pltpu.make_async_copy(
                ovs[v], at_hbm.at[pl.ds(0, BATCH)], oss[v]).wait()

    return gather_kernel(xf, tablet)


def _project_channel_major(at3, w):
    sb = 8

    def mm(a_ref, w_ref, o_ref):
        a = jnp.reshape(a_ref[...], (K_DIM, sb * 128))
        o_ref[...] = lax.dot_general(
            a, w_ref[...], (((0,), (1,)), ((), ())),
            preferred_element_type=jnp.float32)

    return pl.pallas_call(
        mm,
        grid=(BATCH // (sb * 128),),
        in_specs=[
            pl.BlockSpec((K_DIM, sb, 128), lambda j: (0, j, 0)),
            pl.BlockSpec((OUT, K_DIM), lambda j: (0, 0)),
        ],
        out_specs=pl.BlockSpec((sb * 128, OUT), lambda j: (j, 0)),
        out_shape=jax.ShapeDtypeStruct((BATCH, OUT), jnp.float32),
    )(at3, w)


def kernel(x, table, W):
    xt = jnp.transpose(x.astype(jnp.int32))
    tablet = jnp.transpose(table)
    at = _gather_channel_major(xt.reshape(N_GROUPS * BATCH), tablet)
    at3 = at.reshape(K_DIM, BATCH // 128, 128)
    return _project_channel_major(at3, W)

# --- scband reference (transcript-rebuilt; emitter-appended) ---
"""Pipeline reference for scband-group-embedding-76089640616148 (READ-ONLY COPY).

The authoritative reference and input builder live on the scoring server;
editing this copy changes nothing except your own understanding.
"""

import jax, jax.numpy as jnp
import numpy as np

N_TOKENS = 100000
N_GROUPS = 26
INNER_DIM = 64
OUT_DIM = 128
BATCH = 4096


def setup_inputs(seed: int = 0) -> dict:
    key = jax.random.key(seed)
    k1, k2, k3 = jax.random.split(key, 3)
    x = jax.random.randint(k1, (BATCH, N_GROUPS), 0, N_TOKENS, dtype=jnp.int64 if jax.config.jax_enable_x64 else jnp.int32)
    # embedding table, init like nn.Embedding (normal(0,1))
    table = jax.random.normal(k2, (N_TOKENS, INNER_DIM), dtype=jnp.float32)
    # proj weight, torch Linear convention: [out_dim, in_dim], kaiming-uniform-ish
    bound = 1.0 / np.sqrt(N_GROUPS * INNER_DIM)
    W = jax.random.uniform(k3, (OUT_DIM, N_GROUPS * INNER_DIM), dtype=jnp.float32, minval=-bound, maxval=bound)
    return {"x": x, "table": table, "W": W}


def reference(x, table, W):
    # emb = embedding(x): gather rows -> [B, n_groups, inner_dim]
    emb = jnp.take(table, x, axis=0)
    # view to [B, n_groups * inner_dim]
    flat = emb.reshape(x.shape[:-1] + (N_GROUPS * INNER_DIM,))
    # proj (Linear, no bias): flat @ W.T
    out = flat @ W.T
    return out

if __name__ == "__main__":
    import jax
    _d = setup_inputs()
    print(jax.jit(kernel)(*tuple(_d.values())))

</pallas_src>

<mosaic_0001>
#map = affine_map<(d0, d1) -> (0)>
#map1 = affine_map<(d0, d1) -> (0, 0)>
module attributes {stable_mosaic.version = 14 : i64} {
  func.func @gather_kernel(%arg0: i32, %arg1: i32, %arg2: memref<106496xi32, #tpu.memory_space<hbm>>, %arg3: memref<64x100000xf32, #tpu.memory_space<hbm>>, %arg4: memref<6815744xf32, #tpu.memory_space<hbm>>, %arg5: memref<100000xf32, #tpu.memory_space<vmem>>, %arg6: memref<4096xi32, #tpu.memory_space<vmem>>, %arg7: memref<4096xi32, #tpu.memory_space<vmem>>, %arg8: memref<4096xf32, #tpu.memory_space<vmem>>, %arg9: memref<4096xf32, #tpu.memory_space<vmem>>, %arg10: memref<106496xi32, #tpu.memory_space<vmem_shared>>, %arg11: memref<!tpu.dma_semaphore, #tpu.memory_space<semaphore_mem>>, %arg12: memref<!tpu.dma_semaphore, #tpu.memory_space<semaphore_mem>>, %arg13: memref<!tpu.dma_semaphore, #tpu.memory_space<semaphore_mem>>, %arg14: memref<!tpu.dma_semaphore, #tpu.memory_space<semaphore_mem>>) attributes {dimension_semantics = [#tpu.dimension_semantics<core_parallel>, #tpu.dimension_semantics<subcore_parallel>], iteration_bounds = array<i64: 2, 16>, scalar_prefetch = 0 : i64, scratch_operands = 10 : i64, tpu.core_type = #tpu.core_type<sc_vector_subcore>, window_params = [{transform_indices = #map}, {transform_indices = #map1}, {transform_indices = #map}]} {
    %mul3A = arith.constant 2 : i32
    %mul3A_0 = arith.muli %arg1, %mul3A : i32
    %add3A = arith.addi %mul3A_0, %arg0 : i32
    %eq3A = arith.constant 0 : i32
    %eq3A_1 = arith.cmpi eq, %arg1, %eq3A : i32
    %convert_element_type3A = arith.extui %eq3A_1 : i1 to i32
    %cond3A = arith.constant 0 : i32
    %cond3A_2 = arith.cmpi ne, %convert_element_type3A, %cond3A : i32
    scf.if %cond3A_2 {
      "tpu.region"() ({
        %run_scoped3A = tpu.sem_alloc : memref<!tpu.dma_semaphore, #tpu.memory_space<semaphore_mem>>
        tpu.enqueue_dma source(%arg2 : memref<106496xi32, #tpu.memory_space<hbm>>) target(%arg10 : memref<106496xi32, #tpu.memory_space<vmem_shared>>) target_semaphore(%run_scoped3A : memref<!tpu.dma_semaphore, #tpu.memory_space<semaphore_mem>>)
        tpu.wait_dma2 semaphore(%run_scoped3A : memref<!tpu.dma_semaphore, #tpu.memory_space<semaphore_mem>>) src(%arg2 : memref<106496xi32, #tpu.memory_space<hbm>>) dst(%arg10 : memref<106496xi32, #tpu.memory_space<vmem_shared>>)
        tpu.yield
      }) : () -> ()
    } else {
    }
    %barrier3A = arith.constant 0 : index
    tpu.barrier barrier_id(%barrier3A)
    %dma_start3A = arith.constant 0 : i32
    %dma_start3A_3 = tpu.memref_slice %arg10[%dma_start3A] : memref<106496xi32, #tpu.memory_space<vmem_shared>> -> memref<4096xi32, #tpu.memory_space<vmem_shared>>
    %dma_start3A_4 = arith.constant 0 : i32
    %dma_start3A_5 = tpu.memref_slice %arg10[%dma_start3A_4] : memref<106496xi32, #tpu.memory_space<vmem_shared>> -> memref<4096xi32, #tpu.memory_space<vmem_shared>>
    tpu.enqueue_dma source(%dma_start3A_5 : memref<4096xi32, #tpu.memory_space<vmem_shared>>) target(%arg6 : memref<4096xi32, #tpu.memory_space<vmem>>) target_semaphore(%arg11 : memref<!tpu.dma_semaphore, #tpu.memory_space<semaphore_mem>>)
    %scan3A = arith.constant 0 : i32
    %scan3A_6 = arith.constant 0 : i32
    %scan3A_7 = arith.constant 26 : i32
    %scan3A_8 = arith.addi %scan3A_6, %scan3A_7 : i32
    %scan3A_9 = arith.constant 1 : i32
    scf.for %scan3A_18 = %scan3A_6 to %scan3A_8 step %scan3A_9  : i32 {
      %mul3A_19 = arith.constant 2 : i32
      %mul3A_20 = arith.muli %mul3A_19, %scan3A_18 : i32
      %add3A_21 = arith.constant 0 : i32
      %add3A_22 = arith.addi %mul3A_20, %add3A_21 : i32
      %rem3A = arith.constant 26 : i32
      %rem3A_23 = arith.remsi %add3A_22, %rem3A : i32
      %jit3A = arith.constant 26 : i32
      %div3A = arith.divsi %add3A_22, %jit3A : i32
      %sign3A = arith.constant 0 : i32
      %sign3A_24 = arith.cmpi sgt, %add3A_22, %sign3A : i32
      %sign3A_25 = arith.extui %sign3A_24 : i1 to i32
      %sign3A_26 = arith.constant 0 : i32
      %sign3A_27 = arith.cmpi slt, %add3A_22, %sign3A_26 : i32
      %sign3A_28 = arith.extui %sign3A_27 : i1 to i32
      %sign3A_29 = arith.subi %sign3A_25, %sign3A_28 : i32
      %sign3A_30 = arith.constant 0 : i32
      %sign3A_31 = arith.cmpi sgt, %jit3A, %sign3A_30 : i32
      %sign3A_32 = arith.extui %sign3A_31 : i1 to i32
      %sign3A_33 = arith.constant 0 : i32
      %sign3A_34 = arith.cmpi slt, %jit3A, %sign3A_33 : i32
      %sign3A_35 = arith.extui %sign3A_34 : i1 to i32
      %sign3A_36 = arith.subi %sign3A_32, %sign3A_35 : i32
      %ne3A = arith.cmpi ne, %sign3A_29, %sign3A_36 : i32
      %rem3A_37 = arith.remsi %add3A_22, %jit3A : i32
      %ne3A_38 = arith.constant 0 : i32
      %ne3A_39 = arith.cmpi ne, %rem3A_37, %ne3A_38 : i32
      %and3A = arith.andi %ne3A, %ne3A_39 : i1
      %sub3A = arith.constant 1 : i32
      %sub3A_40 = arith.subi %div3A, %sub3A : i32
      %select_n3A = arith.select %and3A, %sub3A_40, %div3A : i32
      %mul3A_41 = arith.constant 2 : i32
      %mul3A_42 = arith.muli %add3A, %mul3A_41 : i32
      %add3A_43 = arith.addi %mul3A_42, %select_n3A : i32
      %rem3A_44 = arith.constant 13 : i32
      %rem3A_45 = arith.remsi %scan3A_18, %rem3A_44 : i32
      %eq3A_46 = arith.constant 0 : i32
      %eq3A_47 = arith.cmpi eq, %rem3A_45, %eq3A_46 : i32
      %convert_element_type3A_48 = arith.extui %eq3A_47 : i1 to i32
      %cond3A_49 = arith.constant 0 : i32
      %cond3A_50 = arith.cmpi ne, %convert_element_type3A_48, %cond3A_49 : i32
      scf.if %cond3A_50 {
        "tpu.region"() ({
          %run_scoped3A = tpu.sem_alloc : memref<!tpu.dma_semaphore, #tpu.memory_space<semaphore_mem>>
          %dma_start3A_134 = arith.constant 0 : i32
          %dma_start3A_135 = tpu.memref_slice %arg3[%add3A_43, %dma_start3A_134] : memref<64x100000xf32, #tpu.memory_space<hbm>> -> memref<1x100000xf32, #tpu.memory_space<hbm>>
          %dma_start3A_136 = tpu.memref_squeeze %dma_start3A_135 : memref<1x100000xf32, #tpu.memory_space<hbm>> -> memref<100000xf32, #tpu.memory_space<hbm>>
          %dma_start3A_137 = arith.constant 0 : i32
          %dma_start3A_138 = tpu.memref_slice %arg3[%add3A_43, %dma_start3A_137] : memref<64x100000xf32, #tpu.memory_space<hbm>> -> memref<1x100000xf32, #tpu.memory_space<hbm>>
          %dma_start3A_139 = tpu.memref_squeeze %dma_start3A_138 : memref<1x100000xf32, #tpu.memory_space<hbm>> -> memref<100000xf32, #tpu.memory_space<hbm>>
          tpu.enqueue_dma source(%dma_start3A_139 : memref<100000xf32, #tpu.memory_space<hbm>>) target(%arg5 : memref<100000xf32, #tpu.memory_space<vmem>>) target_semaphore(%run_scoped3A : memref<!tpu.dma_semaphore, #tpu.memory_space<semaphore_mem>>)
          %dma_wait3A_140 = arith.constant 0 : i32
          %dma_wait3A_141 = tpu.memref_slice %arg3[%add3A_43, %dma_wait3A_140] : memref<64x100000xf32, #tpu.memory_space<hbm>> -> memref<1x100000xf32, #tpu.memory_space<hbm>>
          %dma_wait3A_142 = tpu.memref_squeeze %dma_wait3A_141 : memref<1x100000xf32, #tpu.memory_space<hbm>> -> memref<100000xf32, #tpu.memory_space<hbm>>
          %dma_wait3A_143 = arith.constant 0 : i32
          %dma_wait3A_144 = tpu.memref_slice %arg3[%add3A_43, %dma_wait3A_143] : memref<64x100000xf32, #tpu.memory_space<hbm>> -> memref<1x100000xf32, #tpu.memory_space<hbm>>
          %dma_wait3A_145 = tpu.memref_squeeze %dma_wait3A_144 : memref<1x100000xf32, #tpu.memory_space<hbm>> -> memref<100000xf32, #tpu.memory_space<hbm>>
          tpu.wait_dma2 semaphore(%run_scoped3A : memref<!tpu.dma_semaphore, #tpu.memory_space<semaphore_mem>>) src(%dma_wait3A_145 : memref<100000xf32, #tpu.memory_space<hbm>>) dst(%arg5 : memref<100000xf32, #tpu.memory_space<vmem>>)
          tpu.yield
        }) : () -> ()
      } else {
      }
      %dma_wait3A_51 = arith.constant 0 : i32
      %dma_wait3A_52 = tpu.memref_slice %arg10[%dma_wait3A_51] : memref<106496xi32, #tpu.memory_space<vmem_shared>> -> memref<4096xi32, #tpu.memory_space<vmem_shared>>
      %dma_wait3A_53 = arith.constant 0 : i32
      %dma_wait3A_54 = tpu.memref_slice %arg10[%dma_wait3A_53] : memref<106496xi32, #tpu.memory_space<vmem_shared>> -> memref<4096xi32, #tpu.memory_space<vmem_shared>>
      tpu.wait_dma2 semaphore(%arg11 : memref<!tpu.dma_semaphore, #tpu.memory_space<semaphore_mem>>) src(%dma_wait3A_54 : memref<4096xi32, #tpu.memory_space<vmem_shared>>) dst(%arg6 : memref<4096xi32, #tpu.memory_space<vmem>>)
      %add3A_55 = arith.constant 1 : i32
      %add3A_56 = arith.addi %add3A_22, %add3A_55 : i32
      %rem3A_57 = arith.constant 26 : i32
      %rem3A_58 = arith.remsi %add3A_56, %rem3A_57 : i32
      %mul3A_59 = arith.constant 4096 : i32
      %mul3A_60 = arith.muli %rem3A_58, %mul3A_59 : i32
      %dma_start3A_61 = tpu.memref_slice %arg10[%mul3A_60] : memref<106496xi32, #tpu.memory_space<vmem_shared>> -> memref<4096xi32, #tpu.memory_space<vmem_shared>>
      %dma_start3A_62 = tpu.memref_slice %arg10[%mul3A_60] : memref<106496xi32, #tpu.memory_space<vmem_shared>> -> memref<4096xi32, #tpu.memory_space<vmem_shared>>
      tpu.enqueue_dma source(%dma_start3A_62 : memref<4096xi32, #tpu.memory_space<vmem_shared>>) target(%arg7 : memref<4096xi32, #tpu.memory_space<vmem>>) target_semaphore(%arg12 : memref<!tpu.dma_semaphore, #tpu.memory_space<semaphore_mem>>)
      %ge3A = arith.constant 2 : i32
      %ge3A_63 = arith.cmpi sge, %add3A_22, %ge3A : i32
      %convert_element_type3A_64 = arith.extui %ge3A_63 : i1 to i32
      %cond3A_65 = arith.constant 0 : i32
      %cond3A_66 = arith.cmpi ne, %convert_element_type3A_64, %cond3A_65 : i32
      scf.if %cond3A_66 {
        %dma_wait3A_134 = arith.constant 0 : i32
        %dma_wait3A_135 = tpu.memref_slice %arg4[%dma_wait3A_134] : memref<6815744xf32, #tpu.memory_space<hbm>> -> memref<4096xf32, #tpu.memory_space<hbm>>
        %dma_wait3A_136 = arith.constant 0 : i32
        %dma_wait3A_137 = tpu.memref_slice %arg4[%dma_wait3A_136] : memref<6815744xf32, #tpu.memory_space<hbm>> -> memref<4096xf32, #tpu.memory_space<hbm>>
        tpu.wait_dma2 semaphore(%arg13 : memref<!tpu.dma_semaphore, #tpu.memory_space<semaphore_mem>>) src(%arg8 : memref<4096xf32, #tpu.memory_space<vmem>>) dst(%dma_wait3A_137 : memref<4096xf32, #tpu.memory_space<hbm>>)
      } else {
      }
      %parallel_loop3A = arith.constant 0 : i32
      %parallel_loop3A_67 = arith.constant 4096 : i32
      %parallel_loop3A_68 = arith.constant 16 : i32
      scf.for %parallel_loop3A_134 = %parallel_loop3A to %parallel_loop3A_67 step %parallel_loop3A_68  : i32 {
        %parallel_loop3A_135 = arith.index_cast %parallel_loop3A_134 : i32 to index
        %parallel_loop3A_136 = tpu.vector_load %arg6[%parallel_loop3A_135] {strides = array<i32>} : memref<4096xi32, #tpu.memory_space<vmem>>, vector<16xi32>,
        %parallel_loop3A_137 = tpu.vector_load_idx %arg5[%parallel_loop3A_136] : memref<100000xf32, #tpu.memory_space<vmem>>[vector<16xi32>], vector<16xf32>,
        %parallel_loop3A_138 = arith.index_cast %parallel_loop3A_134 : i32 to index
        %parallel_loop3A_139 = tpu.vector_load %arg8[%parallel_loop3A_138] {strides = array<i32>} : memref<4096xf32, #tpu.memory_space<vmem>>, vector<16xf32>,
        tpu.vector_store %arg8[%parallel_loop3A_138], %parallel_loop3A_137 {strides = array<i32>} : memref<4096xf32, #tpu.memory_space<vmem>>, vector<16xf32>,
      } {sc.loop_unroll_factor = 16 : i64, sc.parallel_access}
      %mul3A_69 = arith.constant 64 : i32
      %mul3A_70 = arith.muli %rem3A_23, %mul3A_69 : i32
      %add3A_71 = arith.addi %mul3A_70, %add3A_43 : i32
      %mul3A_72 = arith.constant 4096 : i32
      %mul3A_73 = arith.muli %add3A_71, %mul3A_72 : i32
      %dma_start3A_74 = tpu.memref_slice %arg4[%mul3A_73] : memref<6815744xf32, #tpu.memory_space<hbm>> -> memref<4096xf32, #tpu.memory_space<hbm>>
      %dma_start3A_75 = tpu.memref_slice %arg4[%mul3A_73] : memref<6815744xf32, #tpu.memory_space<hbm>> -> memref<4096xf32, #tpu.memory_space<hbm>>
      tpu.enqueue_dma source(%arg8 : memref<4096xf32, #tpu.memory_space<vmem>>) target(%dma_start3A_75 : memref<4096xf32, #tpu.memory_space<hbm>>) target_semaphore(%arg13 : memref<!tpu.dma_semaphore, #tpu.memory_space<semaphore_mem>>)
      %mul3A_76 = arith.constant 2 : i32
      %mul3A_77 = arith.muli %mul3A_76, %scan3A_18 : i32
      %add3A_78 = arith.constant 1 : i32
      %add3A_79 = arith.addi %mul3A_77, %add3A_78 : i32
      %rem3A_80 = arith.constant 26 : i32
      %rem3A_81 = arith.remsi %add3A_79, %rem3A_80 : i32
      %jit3A_82 = arith.constant 26 : i32
      %div3A_83 = arith.divsi %add3A_79, %jit3A_82 : i32
      %sign3A_84 = arith.constant 0 : i32
      %sign3A_85 = arith.cmpi sgt, %add3A_79, %sign3A_84 : i32
      %sign3A_86 = arith.extui %sign3A_85 : i1 to i32
      %sign3A_87 = arith.constant 0 : i32
      %sign3A_88 = arith.cmpi slt, %add3A_79, %sign3A_87 : i32
      %sign3A_89 = arith.extui %sign3A_88 : i1 to i32
      %sign3A_90 = arith.subi %sign3A_86, %sign3A_89 : i32
      %sign3A_91 = arith.constant 0 : i32
      %sign3A_92 = arith.cmpi sgt, %jit3A_82, %sign3A_91 : i32
      %sign3A_93 = arith.extui %sign3A_92 : i1 to i32
      %sign3A_94 = arith.constant 0 : i32
      %sign3A_95 = arith.cmpi slt, %jit3A_82, %sign3A_94 : i32
      %sign3A_96 = arith.extui %sign3A_95 : i1 to i32
      %sign3A_97 = arith.subi %sign3A_93, %sign3A_96 : i32
      %ne3A_98 = arith.cmpi ne, %sign3A_90, %sign3A_97 : i32
      %rem3A_99 = arith.remsi %add3A_79, %jit3A_82 : i32
      %ne3A_100 = arith.constant 0 : i32
      %ne3A_101 = arith.cmpi ne, %rem3A_99, %ne3A_100 : i32
      %and3A_102 = arith.andi %ne3A_98, %ne3A_101 : i1
      %sub3A_103 = arith.constant 1 : i32
      %sub3A_104 = arith.subi %div3A_83, %sub3A_103 : i32
      %select_n3A_105 = arith.select %and3A_102, %sub3A_104, %div3A_83 : i32
      %mul3A_106 = arith.constant 2 : i32
      %mul3A_107 = arith.muli %add3A, %mul3A_106 : i32
      %add3A_108 = arith.addi %mul3A_107, %select_n3A_105 : i32
      %dma_wait3A_109 = arith.constant 0 : i32
      %dma_wait3A_110 = tpu.memref_slice %arg10[%dma_wait3A_109] : memref<106496xi32, #tpu.memory_space<vmem_shared>> -> memref<4096xi32, #tpu.memory_space<vmem_shared>>
      %dma_wait3A_111 = arith.constant 0 : i32
      %dma_wait3A_112 = tpu.memref_slice %arg10[%dma_wait3A_111] : memref<106496xi32, #tpu.memory_space<vmem_shared>> -> memref<4096xi32, #tpu.memory_space<vmem_shared>>
      tpu.wait_dma2 semaphore(%arg12 : memref<!tpu.dma_semaphore, #tpu.memory_space<semaphore_mem>>) src(%dma_wait3A_112 : memref<4096xi32, #tpu.memory_space<vmem_shared>>) dst(%arg7 : memref<4096xi32, #tpu.memory_space<vmem>>)
      %add3A_113 = arith.constant 1 : i32
      %add3A_114 = arith.addi %add3A_79, %add3A_113 : i32
      %lt3A = arith.constant 52 : i32
      %lt3A_115 = arith.cmpi slt, %add3A_114, %lt3A : i32
      %convert_element_type3A_116 = arith.extui %lt3A_115 : i1 to i32
      %cond3A_117 = arith.constant 0 : i32
      %cond3A_118 = arith.cmpi ne, %convert_element_type3A_116, %cond3A_117 : i32
      scf.if %cond3A_118 {
        %add3A_134 = arith.constant 1 : i32
        %add3A_135 = arith.addi %add3A_79, %add3A_134 : i32
        %rem3A_136 = arith.constant 26 : i32
        %rem3A_137 = arith.remsi %add3A_135, %rem3A_136 : i32
        %mul3A_138 = arith.constant 4096 : i32
        %mul3A_139 = arith.muli %rem3A_137, %mul3A_138 : i32
        %dma_start3A_140 = tpu.memref_slice %arg10[%mul3A_139] : memref<106496xi32, #tpu.memory_space<vmem_shared>> -> memref<4096xi32, #tpu.memory_space<vmem_shared>>
        %dma_start3A_141 = tpu.memref_slice %arg10[%mul3A_139] : memref<106496xi32, #tpu.memory_space<vmem_shared>> -> memref<4096xi32, #tpu.memory_space<vmem_shared>>
        tpu.enqueue_dma source(%dma_start3A_141 : memref<4096xi32, #tpu.memory_space<vmem_shared>>) target(%arg6 : memref<4096xi32, #tpu.memory_space<vmem>>) target_semaphore(%arg11 : memref<!tpu.dma_semaphore, #tpu.memory_space<semaphore_mem>>)
      } else {
      }
      %ge3A_119 = arith.constant 2 : i32
      %ge3A_120 = arith.cmpi sge, %add3A_79, %ge3A_119 : i32
      %convert_element_type3A_121 = arith.extui %ge3A_120 : i1 to i32
      %cond3A_122 = arith.constant 0 : i32
      %cond3A_123 = arith.cmpi ne, %convert_element_type3A_121, %cond3A_122 : i32
      scf.if %cond3A_123 {
        %dma_wait3A_134 = arith.constant 0 : i32
        %dma_wait3A_135 = tpu.memref_slice %arg4[%dma_wait3A_134] : memref<6815744xf32, #tpu.memory_space<hbm>> -> memref<4096xf32, #tpu.memory_space<hbm>>
        %dma_wait3A_136 = arith.constant 0 : i32
        %dma_wait3A_137 = tpu.memref_slice %arg4[%dma_wait3A_136] : memref<6815744xf32, #tpu.memory_space<hbm>> -> memref<4096xf32, #tpu.memory_space<hbm>>
        tpu.wait_dma2 semaphore(%arg14 : memref<!tpu.dma_semaphore, #tpu.memory_space<semaphore_mem>>) src(%arg9 : memref<4096xf32, #tpu.memory_space<vmem>>) dst(%dma_wait3A_137 : memref<4096xf32, #tpu.memory_space<hbm>>)
      } else {
      }
      %parallel_loop3A_124 = arith.constant 0 : i32
      %parallel_loop3A_125 = arith.constant 4096 : i32
      %parallel_loop3A_126 = arith.constant 16 : i32
      scf.for %parallel_loop3A_134 = %parallel_loop3A_124 to %parallel_loop3A_125 step %parallel_loop3A_126  : i32 {
        %parallel_loop3A_135 = arith.index_cast %parallel_loop3A_134 : i32 to index
        %parallel_loop3A_136 = tpu.vector_load %arg7[%parallel_loop3A_135] {strides = array<i32>} : memref<4096xi32, #tpu.memory_space<vmem>>, vector<16xi32>,
        %parallel_loop3A_137 = tpu.vector_load_idx %arg5[%parallel_loop3A_136] : memref<100000xf32, #tpu.memory_space<vmem>>[vector<16xi32>], vector<16xf32>,
        %parallel_loop3A_138 = arith.index_cast %parallel_loop3A_134 : i32 to index
        %parallel_loop3A_139 = tpu.vector_load %arg9[%parallel_loop3A_138] {strides = array<i32>} : memref<4096xf32, #tpu.memory_space<vmem>>, vector<16xf32>,
        tpu.vector_store %arg9[%parallel_loop3A_138], %parallel_loop3A_137 {strides = array<i32>} : memref<4096xf32, #tpu.memory_space<vmem>>, vector<16xf32>,
      } {sc.loop_unroll_factor = 16 : i64, sc.parallel_access}
      %mul3A_127 = arith.constant 64 : i32
      %mul3A_128 = arith.muli %rem3A_81, %mul3A_127 : i32
      %add3A_129 = arith.addi %mul3A_128, %add3A_108 : i32
      %mul3A_130 = arith.constant 4096 : i32
      %mul3A_131 = arith.muli %add3A_129, %mul3A_130 : i32
      %dma_start3A_132 = tpu.memref_slice %arg4[%mul3A_131] : memref<6815744xf32, #tpu.memory_space<hbm>> -> memref<4096xf32, #tpu.memory_space<hbm>>
      %dma_start3A_133 = tpu.memref_slice %arg4[%mul3A_131] : memref<6815744xf32, #tpu.memory_space<hbm>> -> memref<4096xf32, #tpu.memory_space<hbm>>
      tpu.enqueue_dma source(%arg9 : memref<4096xf32, #tpu.memory_space<vmem>>) target(%dma_start3A_133 : memref<4096xf32, #tpu.memory_space<hbm>>) target_semaphore(%arg14 : memref<!tpu.dma_semaphore, #tpu.memory_space<semaphore_mem>>)
    }
    %scan3A_10 = arith.constant 26 : i32
    %dma_wait3A = arith.constant 0 : i32
    %dma_wait3A_11 = tpu.memref_slice %arg4[%dma_wait3A] : memref<6815744xf32, #tpu.memory_space<hbm>> -> memref<4096xf32, #tpu.memory_space<hbm>>
    %dma_wait3A_12 = arith.constant 0 : i32
    %dma_wait3A_13 = tpu.memref_slice %arg4[%dma_wait3A_12] : memref<6815744xf32, #tpu.memory_space<hbm>> -> memref<4096xf32, #tpu.memory_space<hbm>>
    tpu.wait_dma2 semaphore(%arg13 : memref<!tpu.dma_semaphore, #tpu.memory_space<semaphore_mem>>) src(%arg8 : memref<4096xf32, #tpu.memory_space<vmem>>) dst(%dma_wait3A_13 : memref<4096xf32, #tpu.memory_space<hbm>>)
    %dma_wait3A_14 = arith.constant 0 : i32
    %dma_wait3A_15 = tpu.memref_slice %arg4[%dma_wait3A_14] : memref<6815744xf32, #tpu.memory_space<hbm>> -> memref<4096xf32, #tpu.memory_space<hbm>>
    %dma_wait3A_16 = arith.constant 0 : i32
    %dma_wait3A_17 = tpu.memref_slice %arg4[%dma_wait3A_16] : memref<6815744xf32, #tpu.memory_space<hbm>> -> memref<4096xf32, #tpu.memory_space<hbm>>
    tpu.wait_dma2 semaphore(%arg14 : memref<!tpu.dma_semaphore, #tpu.memory_space<semaphore_mem>>) src(%arg9 : memref<4096xf32, #tpu.memory_space<vmem>>) dst(%dma_wait3A_17 : memref<4096xf32, #tpu.memory_space<hbm>>)
    return
  }
}

module attributes {stable_mosaic.version = 14 : i64} {
  func.func @mm(%arg0: i32, %arg1: memref<1664x8x128xf32, #tpu.memory_space<vmem>>, %arg2: memref<128x1664xf32, #tpu.memory_space<vmem>>, %arg3: memref<1024x128xf32, #tpu.memory_space<vmem>>) attributes {dimension_semantics = [#tpu.dimension_semantics<arbitrary>], iteration_bounds = array<i64: 4>, scalar_prefetch = 0 : i64, scratch_operands = 0 : i64, tpu.core_type = #tpu.core_type<tc>, window_params = [{transform_indices = @transform_0, window_bounds = array<i64: 1664, 8, 128>}, {pipeline_mode = #tpu.pipeline_mode<synchronous>, transform_indices = @transform_1, window_bounds = array<i64: 128, 1664>}, {transform_indices = @transform_2, window_bounds = array<i64: 1024, 128>}]} {
    %get3A = arith.constant 0 : index
    %get3A_0 = arith.constant 0 : index
    %get3A_1 = arith.constant 0 : index
    %get3A_2 = vector.load %arg1[%get3A, %get3A_0, %get3A_1] : memref<1664x8x128xf32, #tpu.memory_space<vmem>>, vector<1664x8x128xf32>
    %reshape3A = vector.shape_cast %get3A_2 : vector<1664x8x128xf32> to vector<1664x1024xf32>
    %get3A_3 = arith.constant 0 : index
    %get3A_4 = arith.constant 0 : index
    %get3A_5 = vector.load %arg2[%get3A_3, %get3A_4] : memref<128x1664xf32, #tpu.memory_space<vmem>>, vector<128x1664xf32>
    %dot_general3A = arith.constant dense<0.000000e+00> : vector<1024x128xf32>
    %dot_general3A_6 = tpu.matmul %reshape3A, %get3A_5, %dot_general3A {dimension_numbers = #tpu.dot_dimension_numbers<[0], [1], [1], [0], [0, 1, 1, 0], [], []>, transpose_lhs_hint = false} : vector<1664x1024xf32>, vector<128x1664xf32>, vector<1024x128xf32> -> vector<1024x128xf32>
    %swap3A = arith.constant 0 : index
    %swap3A_7 = arith.constant 0 : index
    %swap3A_8 = vector.load %arg3[%swap3A, %swap3A_7] : memref<1024x128xf32, #tpu.memory_space<vmem>>, vector<1024x128xf32>
    tpu.vector_store %arg3[%swap3A, %swap3A_7], %dot_general3A_6 {strides = array<i32>} : memref<1024x128xf32, #tpu.memory_space<vmem>>, vector<1024x128xf32>,
    return
  }
  func.func @transform_0(%arg0: i32) -> (i32, i32, i32) {
    %c0_i32 = arith.constant 0 : i32
    %c0_i32_0 = arith.constant 0 : i32
    %c0_i32_1 = arith.constant 0 : i32
    return %c0_i32, %arg0, %c0_i32_0 : i32, i32, i32
  }
  func.func @transform_1(%arg0: i32) -> (i32, i32) {
    %c0_i32 = arith.constant 0 : i32
    %c0_i32_0 = arith.constant 0 : i32
    %c0_i32_1 = arith.constant 0 : i32
    return %c0_i32, %c0_i32_0 : i32, i32
  }
  func.func @transform_2(%arg0: i32) -> (i32, i32) {
    %c0_i32 = arith.constant 0 : i32
    %c0_i32_0 = arith.constant 0 : i32
    return %arg0, %c0_i32 : i32, i32
  }
}

</mosaic_0001>

<sc_bundles>
// kernel: kernel.4.cloned.1.call-start
scs
__scs_entry_jumppad:
0x0: {  	(pc) =	sbr.rel $0x88, $3  }
0x1: {  	(tag) =	ssettag $0x0;
	lr =	simm.s32 $0x1  }
0x2: {  	[smem:$0x3F9E] =	sst lr;
	_ =	strace $0xD0000000  }
0x3: {  	_ = 	snop  }
0x4: {  	_ = 	snop  }
0x5: {  	_ = 	snop  }
0x6: {  	_ = 	snop  }
0x7: {  	_ = 	snop  }
__scs_overlays_trampoline_lowered:
0x8: {  	[smem:$0x3FAD] =	sst s0  }
0x9: {  	[smem:$0x3FAE] =	sst s1  }
0xa: {  	[smem:$0x3FAF] =	sst s2  }
0xb: {  	[smem:$0x3FB0] =	sst s3  }
0xc: {  	[smem:$0x3FB1] =	sst s4  }
0xd: {  	[smem:$0x3FB2] =	sst s5  }
0xe: {  	[smem:$0x3FB3] =	sst s6  }
0xf: {  	[smem:$0x3FB4] =	sst s7  }
0x10: {  	[smem:$0x3FB5] =	sst s8  }
0x11: {  	[smem:$0x3FB6] =	sst s9;
	s0 =	simm.s32 @!p0 $0x0  }
0x12: {  	s1 =	sld [smem:$0x3F9C];
	s0 =	simm.s32 @p0 $0x1  }
0x13: {  	[smem:$0x3FB7] =	sst s0;
	s0 =	simm.s32 @!p1 $0x0  }
0x14: {  	s2 =	sld [smem:$0x3F9B];
	s0 =	simm.s32 @p1 $0x1  }
0x15: {  	[smem:$0x3FB8] =	sst s0;
	s0 =	simm.s32 @!p2 $0x0  }
0x16: {  	s3 =	sld [smem:$0x3FDB];
	s0 =	simm.s32 @p2 $0x1  }
0x17: {  	s4 =	simm.s32 $0x1BF5;
	[smem:$0x3FBA] =	sst s0  }
0x18: {  	s0 =	sld [smem:$0x3F9D];
	_ =	swait.ge [sflag:s4], $0x0  }
0x19: {  	s7 =	sld [smem:$0x3F9E]  }
0x1a: {  	s8 =	sadd.s32 $0xFFFFE003, lr  }
0x1b: {  	s9 =	sadd.s32 $0xFFFFFEF7, lr;
	s5 =	simm.s32 $0xFFFFFFFF;
	p2 =	slt.u32 s8, $0xFFFFF086  }
0x1c: {  	p1 =	slt.u32 s9, $0xF7A;
	s5 =	simm.s32 @!p2 $0x0  }
0x1d: {  	s5 =	simm.s32 @p1 $0x1;
	p0 =	seq.s32 s7, s2  }
0x1e: {  	s7 =	smul.u32 @!p0 $0xF7A, s2;
	p2 =	seq.s32 @!p0 s5, $0x0  }
0x1f: {  	s9 =	smul.u32 $0xF7A, s1;
	s8 =	simm.s32 @!p0 $0x1BF5;
	p2 =	por !p2, p0  }
0x20: {  	[sflag:s8] =	ssyncset.s32 @!p0 $0xFFFFF086;
	s6 =	sadd.s32 @!p0 s3, s7;
	s7 =	simm.s32 @!p0 $0x108  }
0x21: {  	s3 =	sadd.s32 s3, s9;
	s6 =	sadd.s32 @!p0 $0x88, s6;
	s7 =	simm.s32 @p2 $0x1082  }
0x22: {  	[simem:s7], [sflag:s8] =	dma.local @!p0 [hbm:s6], $0xF7A  }
0x23: {  	s9 =	sor.u32 $0xD0000000, s2;
	s6 =	simm.s32 $0x108;
	_ =	swait.ge @!p0 [sflag:s8], $0x0  }
0x24: {  	s3 =	sadd.s32 $0x88, s3;
	s6 =	simm.s32 @!p1 $0x1082;
	[sflag:s4] =	ssyncset.s32 $0xFFFFF086  }
0x25: {  	[simem:s6], [sflag:s4] =	dma.local [hbm:s3], $0xF7A  }
0x26: {  	[smem:$0x3F9E] =	sst s1;
	(tag) =	ssettag s2;
	_ =	strace s9  }
0x27: {  	s1 =	sld [smem:$0x3FAE]  }
0x28: {  	s2 =	sld [smem:$0x3FAF]  }
0x29: {  	s4 =	sld [smem:$0x3FB1]  }
0x2a: {  	p0 =	seq.s32 s5, $0x0;
	s5 =	sld [smem:$0x3FB2]  }
0x2b: {  	s6 =	sld [smem:$0x3FB3]  }
0x2c: {  	s7 =	sld [smem:$0x3FB4]  }
0x2d: {  	s3 =	simm.s32 $0x108;
	s8 =	sld [smem:$0x3FB5]  }
0x2e: {  	s3 =	simm.s32 @!p0 $0x1082;
	s9 =	sld [smem:$0x3FB6]  }
0x2f: {  	lr =	sadd.s32 s0, s3;
	s0 =	sld [smem:$0x3FAD]  }
0x30: {  	s3 =	sld [smem:$0x3FB0]  }
0x31: {  	[smem:$0x3FB9] =	sst s10  }
0x32: {  	s10 =	sld [smem:$0x3FB7];
	_ =	sdelay $0x3  }
0x33: {  	p0 =	seq.s32 s10, $0x1;
	s10 =	sld [smem:$0x3FB9];
	_ =	sdelay $0x3  }
0x34: {  	[smem:$0x3FB9] =	sst s10  }
0x35: {  	s10 =	sld [smem:$0x3FB8];
	_ =	sdelay $0x3  }
0x36: {  	p1 =	seq.s32 s10, $0x1;
	s10 =	sld [smem:$0x3FB9];
	_ =	sdelay $0x3  }
0x37: {  	[smem:$0x3FB9] =	sst s10  }
0x38: {  	s10 =	sld [smem:$0x3FBA]  }
0x39: {  	_ = 	snop;
	(pc) =	sbr.ind lr, $3  }
0x3a: {  	_ = 	snop  }
0x3b: {  	_ = 	snop  }
0x3c: {  	p2 =	seq.s32 s10, $0x1;
	s10 =	sld [smem:$0x3FB9]  }
0x3d: {  	_ =	shalt  }
0x3e: {  	_ =	shalt  }
0x3f: {  	_ =	shalt  }
0x40: {  	_ =	shalt  }
0x41: {  	_ =	shalt  }
0x42: {  	_ =	shalt  }
0x43: {  	_ =	shalt  }
0x44: {  	_ =	shalt  }
0x45: {  	_ =	shalt  }
0x46: {  	_ =	shalt  }
0x47: {  	_ =	shalt  }
0x48: {  	_ =	shalt  }
0x49: {  	_ =	shalt  }
0x4a: {  	_ =	shalt  }
0x4b: {  	_ =	shalt  }
0x4c: {  	_ =	shalt  }
0x4d: {  	_ =	shalt  }
0x4e: {  	_ =	shalt  }
0x4f: {  	_ =	shalt  }
0x50: {  	_ =	shalt  }
0x51: {  	_ =	shalt  }
0x52: {  	_ =	shalt  }
0x53: {  	_ =	shalt  }
0x54: {  	_ =	shalt  }
0x55: {  	_ =	shalt  }
0x56: {  	_ =	shalt  }
0x57: {  	_ =	shalt  }
0x58: {  	_ =	shalt  }
0x59: {  	_ =	shalt  }
0x5a: {  	_ =	shalt  }
0x5b: {  	_ =	shalt  }
0x5c: {  	_ =	shalt  }
0x5d: {  	_ =	shalt  }
0x5e: {  	_ =	shalt  }
0x5f: {  	_ =	shalt  }
0x60: {  	_ =	shalt  }
0x61: {  	_ =	shalt  }
0x62: {  	_ =	shalt  }
0x63: {  	_ =	shalt  }
0x64: {  	_ =	shalt  }
0x65: {  	_ =	shalt  }
0x66: {  	_ =	shalt  }
0x67: {  	_ =	shalt  }
0x68: {  	_ =	shalt  }
0x69: {  	_ =	shalt  }
0x6a: {  	_ =	shalt  }
0x6b: {  	_ =	shalt  }
0x6c: {  	_ =	shalt  }
0x6d: {  	_ =	shalt  }
0x6e: {  	_ =	shalt  }
0x6f: {  	_ =	shalt  }
0x70: {  	_ =	shalt  }
0x71: {  	_ =	shalt  }
0x72: {  	_ =	shalt  }
0x73: {  	_ =	shalt  }
0x74: {  	_ =	shalt  }
0x75: {  	_ =	shalt  }
0x76: {  	_ =	shalt  }
0x77: {  	_ =	shalt  }
0x78: {  	_ =	shalt  }
0x79: {  	_ =	shalt  }
0x7a: {  	_ =	shalt  }
0x7b: {  	_ =	shalt  }
0x7c: {  	_ =	shalt  }
0x7d: {  	_ =	shalt  }
0x7e: {  	_ =	shalt  }
0x7f: {  	_ =	shalt  }
0x80: {  	_ =	shalt  }
0x81: {  	_ =	shalt  }
0x82: {  	_ =	shalt  }
0x83: {  	_ =	shalt  }
0x84: {  	_ =	shalt  }
0x85: {  	_ =	shalt  }
0x86: {  	_ =	shalt  }
0x87: {  	_ =	shalt  }
.Lfunc_end0:
.L_simem_size_0:
called_computation_lowered:
.L_overlay_start_0:
0x88: {  	s2 =	sld [smem:$0x3FD9]  }
0x89: {  	s3 =	sld [smem:$0x3FFE];
	_ =	sdelay $0x1  }
0x8a: {  	s1 =	srdreg.scid  }
0x8b: {  	s0 =	sand.u32 $0x1, s1  }
0x8c: {  	s17 =	sshll.u32 s0, $0xA;
	s2 =	sadd.s32 s3, s2  }
0x8d: {  	s2 =	sadd.s32 s2, s17  }
0x8e: {  	[smem:$0x3FC5] =	sst s2  }
0x8f: {  	_ = 	snop  }
0x90: {  	s2 =	sld [smem:$0x3FC8]  }
0x91: {  	s18 =	sld [smem:$0x3FD0];
	(tm) =	ssettm $0x1  }
0x92: {  	s4 =	sld [smem:$0x3FFB];
	_ =	sdelay $0x3  }
0x93: {  	_ =	strace s4  }
0x94: {  	s4 =	sld [smem:$0x3FFC];
	_ =	sdelay $0x3  }
0x95: {  	_ =	strace s4  }
0x96: {  	s4 =	sld [smem:$0x3FFD];
	_ =	sdelay $0x3  }
0x97: {  	_ =	strace s4  }
0x98: {  	_ =	strace $0x8FFFFFFF  }
0x99: {  	s19 =	sld [smem:$0x3FDB];
	_ =	sdelay $0x1  }
0x9a: {  	s5 =	simm.s32 $_scs_section_size  }
0x9b: {  	s6 =	simm.s32 $_size__tile_overlayer_lowered;
	s7 =	simm.s32 $_tile_overlayer_lowered  }
0x9c: {  	s22 =	simm.s32 $0x1BFF;
	s21 =	sshll.u32 s7, $0x1;
	s4 =	sadd.s32 s5, s19  }
0x9d: {  	s8 =	simm.s32 $0x0;
	s20 =	sshll.u32 s6, $0x1;
	s6 =	sadd.s32 s21, s4  }
0x9e: {  	[timem:s8], [sflag:s22] =	dma.local [hbm:s6], s20  }
0x9f: {  	_ =	swait.ge [sflag:s22], s20  }
0xa0: {  	s5 =	ssub.s32 $0x0, s20;
	[sflag:s22] =	ssyncset.done $0x0  }
0xa1: {  	[sflag:s22] =	ssyncadd.s32 s5;
	_ =	sdelay $0x1  }
0xa2: {  	s23 =	simm.s32 $0x1B8B  }
0xa3: {  	_ =	swait.ge [sflag:s23], $0x1  }
0xa4: {  	[sflag:s23] =	ssyncset.done $0x0  }
0xa5: {  	s25 =	simm.s32 $0x1B8E;
	s24 =	sld [smem:$0x3FFE];
	[sflag:s23] =	ssyncadd.s32 $0xFFFFFFFF  }
0xa6: {  	s26 =	simm.s32 $execute0_lowered;
	[smem:$0x3FD2] =	sst s25  }
0xa7: {  	s6 =	sshll.u32 s26, $0x1;
	_ =	strace $0x80000046;
	[dreg:$0x1] =	wrdreg $0xFFFFFFFF  }
0xa8: {  	s28 =	simm.s32 $_size_execute0_lowered;
	s4 =	sadd.s32 s4, s6;
	[dreg:$0x0] =	wrdreg $0x0  }
0xa9: {  	s6 =	sshll.u32 s28, $0x1;
	[dreg:$0x2] =	wrdreg s4  }
0xaa: {  	[dreg:$0x3] =	wrdreg s6  }
0xab: {  	[dreg:$0x4] =	wrdreg $0xC0  }
0xac: {  	_ =	task [dreg:s8], $0x5FFFF  }
0xad: {  	[dreg:$0x1] =	wrdreg $0xFFFFFFFF  }
0xae: {  	[dreg:$0x0] =	wrdreg $0x60  }
0xaf: {  	[dreg:$0x2] =	wrdreg s18  }
0xb0: {  	[dreg:$0x3] =	wrdreg s2  }
0xb1: {  	[dreg:$0x4] =	wrdreg s24  }
0xb2: {  	[dreg:$0x5] =	wrdreg $0x1C7000  }
0xb3: {  	[dreg:$0x6] =	wrdreg $0x9  }
0xb4: {  	_ =	task.clear_ibuf [dreg:s8], $0x7FFFF;
	_ =	strace $0x90000046  }
0xb5: {  	s29 =	simm.s32 $0x9;
	_ =	strace $0x80000048  }
0xb6: {  	_ =	swait.ge [sflag:s29], $0x1  }
0xb7: {  	[sflag:s29] =	ssyncadd.s32 $0xFFFFFFFF  }
0xb8: {  	_ =	strace $0x90000048  }
0xb9: {  	_ =	sfence  }
0xba: {  	s30 =	sld [smem:$0x0];
	_ =	sdelay $0x2  }
0xbb: {  	s31 =	sshll.u32 s1, $0xD;
	s1 =	sshrl.u32 s1, $0x2  }
0xbc: {  	s3 =	sand.u32 $0x4000, s31;
	s1 =	sadd.s32 s1, s30  }
0xbd: {  	s0 =	sor.u32 s3, s0;
	s1 =	sshll.u32 s1, $0x11  }
0xbe: {  	s0 =	sor.u32 s1, s0  }
0xbf: {  	s0 =	sadd.s32 $0x8F2B, s0  }
0xc0: {  	[sflag:s0] =	ssyncadd.remote.s32 $0x1  }
0xc1: {  	_ =	sfence.sel $0xFFFF  }
0xc2: {  	[dreg:$0x0] =	wrdreg $0xFFFFFFFF;
	(pc) =	sbr.abs _section_cstart, $3  }
0xc3: {  	[dreg:$0x1] =	wrdreg $0xFFFFFFFF  }
0xc4: {  	_ =	task.clear_ibuf [dreg:s8], $0x2FFFF;
	_ =	strace $0x9FFFFFFF  }
0xc5: {  	(tm) =	ssettm $0x7FFFFFFF  }
tec
execute0_lowered:
.L_overlay_start_1:
0x0: {  	(tag) =	ssettag $0x1  }
0x1: {  	s1 =	rddreg [dreg:$0x0]  }
0x2: {  	s2 =	rddreg [dreg:$0x1]  }
0x3: {  	s5 =	rddreg [dreg:$0x2]  }
0x4: {  	s3 =	rddreg [dreg:$0x3]  }
0x5: {  	s0 =	rddreg [dreg:$0x4]  }
0x6: {  	s4 =	simm.s32 $0x0;
	s6 =	srdreg.scid;
	s8 =	stileid.u32  }
0x7: {  	s10 =	simm.s32 $0x18700;
	s11 =	simm.s32 $0x1;
	s12 =	simm.s32 $0x19700  }
0x8: {  	s13 =	simm.s32 $0x1A700;
	s14 =	simm.s32 $0x2;
	s15 =	simm.s32 $0x1B700  }
0x9: {  	s16 =	simm.s32 $0x3;
	s17 =	simm.s32 $0x4;
	s18 =	simm.s32 $0x0  }
0xa: {  	[smem:$0x7FF] =	sst s4;
	s6 =	sand.u32 $0x1, s6;
	s5 =	sadd.s32 $0x600, s5  }
0xb: {  	s30 =	sshll.u32 s8, $0x2;
	s31 =	sshrl.u32 s8, $0x1;
	s7 =	ssub.s32 $0x2, s6  }
0xc: {  	p0 =	sne.s32 s8, $0x0;
	s6 =	sshll.u32 s6, $0x1;
	s9 =	sshrl.u32 s7, $0x1  }
0xd: {  	_ =	strace $0x80000047;
	s6 =	sor.u32 s30, s6;
	s9 =	ssub.s32 s7, s9  }
0xe: {  	s7 =	smul.u32 $0xC3800, s31;
	s8 =	smax.u32 s9, $0x1;
	s9 =	sshrl.u32 @!p0 s3, $0x3  }
.LBB2_1:
0xf: {  	s19 =	simm.s32 @!p0 $0x1C05  }
0x10: {  	[spmem:s9], [sflag:s19] =	dma.local @!p0 [hbm:s1], $0x3400  }
0x11: {  	s19 =	simm.s32 @!p0 $0x5  }
0x12: {  	_ =	swait.ge @!p0 [sflag:s19], $0x3400  }
0x13: {  	[sflag:s19] =	ssyncset.done @!p0 $0x0  }
0x14: {  	[sflag:s19] =	ssyncadd.s32 @!p0 $0xFFFFCC00  }
0x15: {  	s19 =	simm.s32 $0x0;
	[bflag:$0x0] =	sbarrier.arrive $0xFFFF  }
0x16: {  	[tilespmem:s10], [sflag:$0x1] =	stream.linear.gather [spmem:s3], $0x1000, $0x38;
	[tilespmem:$0x1E100] =	vst v63  }
.LBB2_2:
0x17: {  	p1 =	sgt.u32 s19, $0xC;
	s20 =	simm.s32 $0x1;
	s21 =	sadd.s32 $0xFFFFFFF3, s19  }
0x18: {  	s20 =	simm.s32 @!p1 $0x0;
	s22 =	smin.u32 s19, s21  }
0x19: {  	s21 =	sor.u32 s20, s6;
	p2 =	sne.s32 s22, $0x0  }
0x1a: {  	s20 =	sshll.u32 @!p2 s21, $0x7  }
0x1b: {  	s20 =	sand.u32 @!p2 $0x380, s20  }
0x1c: {  	s20 =	sor.u32 @!p2 s7, s20  }
0x1d: {  	s22 =	simm.s32 @!p2 $0x80;
	s20 =	sshrl.u32 @!p2 s20, $0x3  }
0x1e: {  	s23 =	simm.s32 @!p2 $0x400;
	s24 =	simm.s32 @!p2 $0x0;
	s20 =	sadd.s32 @!p2 s2, s20  }
0x1f: {  	[tilespmem:s24], [sflag:$0x5] =	stream.strided.gather @!p2 [hbm4b:s20+s22], $0x18700, s23, s22, $0x38;
	[tilespmem:$0x1E100] =	vst v63  }
0x20: {  	s23 =	simm.s32 @!p2 $0x5  }
0x21: {  	p1 =	slt.u32 s19, $0xD;
	s22 =	sshll.u32 s19, $0x1;
	_ =	swait.ge @!p2 [sflag:s23], $0x18700  }
0x22: {  	s24 =	sor.u32 $0x1, s22;
	s20 =	sadd.s32 $0xFFFFFFE7, s22;
	[sflag:s23] =	ssyncset.done @!p2 $0x0  }
0x23: {  	s20 =	smov.u32 @p1 s24;
	[sflag:s23] =	ssyncadd.s32 @!p2 $0xFFFE7900  }
0x24: {  	s30 =	sshll.u32 s20, $0xC;
	_ =	swait.ge [sflag:s11], $0x1000  }
0x25: {  	s23 =	sand.u32 $0x3FFFF000, s30;
	[sflag:s11] =	ssyncset.done $0x0  }
0x26: {  	p2 =	seq.s32 s19, $0x0;
	s23 =	sadd.s32 s23, s3;
	[sflag:s11] =	ssyncadd.s32 $0xFFFFF000  }
0x27: {  	[tilespmem:s12], [sflag:$0x2] =	stream.linear.gather [spmem:s23], $0x1000, $0x38;
	[tilespmem:$0x1E100] =	vst v63  }
0x28: {  	s23 =	simm.s32 @!p2 $0x3  }
0x29: {  	_ =	swait.ge @!p2 [sflag:s23], $0x1000  }
0x2a: {  	[sflag:s23] =	ssyncset.done @!p2 $0x0  }
0x2b: {  	s31 =	simm.s32 $0x18780;
	[sflag:s23] =	ssyncadd.s32 @!p2 $0xFFFFF000  }
0x2c: {  	v0 =	vld [tilespmem:s31+$0x70]  }
0x2d: {  	v1 =	vld [tilespmem:s31+$0xFFFFFF90]  }
0x2e: {  	v2 =	vld [tilespmem:s31+$0xFFFFFFA0]  }
0x2f: {  	v3 =	vld [tilespmem:s31+$0xFFFFFFB0]  }
0x30: {  	v4 =	vld [tilespmem:s31+$0xFFFFFFC0]  }
0x31: {  	v5 =	vld [tilespmem:s31+$0xFFFFFFD0]  }
0x32: {  	v6 =	vld [tilespmem:s31+$0xFFFFFFE0]  }
0x33: {  	v7 =	vld [tilespmem:s31+$0xFFFFFFF0]  }
0x34: {  	v8 =	vld [tilespmem:s31+$0x0]  }
0x35: {  	v9 =	vld [tilespmem:s31+$0x10]  }
0x36: {  	v10 =	vld [tilespmem:s31+$0x20]  }
0x37: {  	v11 =	vld [tilespmem:s31+$0x30]  }
0x38: {  	v12 =	vld [tilespmem:s31+$0x40]  }
0x39: {  	v13 =	vld [tilespmem:s31+$0x50]  }
0x3a: {  	v14 =	vld [tilespmem:s31+$0x60]  }
0x3b: {  	v15 =	vld [tilespmem:s31+$0xFFFFFF80]  }
0x3c: {  	v0 =	vld.idx.msk [tilespmem:v0+s4+$0x0], $0xffff  }
0x3d: {  	v1 =	vld.idx.msk [tilespmem:v1+s4+$0x0], $0xffff  }
0x3e: {  	v2 =	vld.idx.msk [tilespmem:v2+s4+$0x0], $0xffff  }
0x3f: {  	v3 =	vld.idx.msk [tilespmem:v3+s4+$0x0], $0xffff  }
0x40: {  	v4 =	vld.idx.msk [tilespmem:v4+s4+$0x0], $0xffff  }
0x41: {  	s23 =	simm.s32 $0x1A780;
	v5 =	vld.idx.msk [tilespmem:v5+s4+$0x0], $0xffff  }
0x42: {  	[tilespmem:s23+$0x70] =	vst v0;
	v0 =	vld.idx.msk [tilespmem:v6+s4+$0x0], $0xffff  }
0x43: {  	[tilespmem:s23+$0xFFFFFF90] =	vst v1;
	v1 =	vld.idx.msk [tilespmem:v7+s4+$0x0], $0xffff  }
0x44: {  	v6 =	vld.idx.msk [tilespmem:v15+s4+$0x0], $0xffff;
	[tilespmem:s23+$0xFFFFFFA0] =	vst v2  }
0x45: {  	[tilespmem:s23+$0xFFFFFFB0] =	vst v3;
	v7 =	vld.idx.msk [tilespmem:v8+s4+$0x0], $0xffff  }
0x46: {  	[tilespmem:s23+$0xFFFFFFC0] =	vst v4;
	v3 =	vld.idx.msk [tilespmem:v9+s4+$0x0], $0xffff  }
0x47: {  	[tilespmem:s23+$0xFFFFFFD0] =	vst v5;
	v4 =	vld.idx.msk [tilespmem:v10+s4+$0x0], $0xffff  }
0x48: {  	v5 =	vld.idx.msk [tilespmem:v11+s4+$0x0], $0xffff;
	[tilespmem:s23+$0xFFFFFFE0] =	vst v0  }
0x49: {  	v2 =	vld.idx.msk [tilespmem:v13+s4+$0x0], $0xffff;
	[tilespmem:s23+$0xFFFFFFF0] =	vst v1  }
0x4a: {  	v1 =	vld.idx.msk [tilespmem:v12+s4+$0x0], $0xffff;
	[tilespmem:s23+$0xFFFFFF80] =	vst v6  }
0x4b: {  	s25 =	simm.s32 $0x18880;
	s24 =	simm.s32 $0x0;
	[tilespmem:s23+$0x0] =	vst v7;
	v0 =	vld.idx.msk [tilespmem:v14+s4+$0x0], $0xffff  }
.LBB2_3:
0x4c: {  	v6 =	vld [tilespmem:s25+$0x70];
	s24 =	sadd.s32 $0x100, s24;
	[tilespmem:s23+$0x10] =	vst v3  }
0x4d: {  	v3 =	vld [tilespmem:s25+$0xFFFFFF90];
	p2 =	slt.u32 s24, $0xF00;
	[tilespmem:s23+$0x20] =	vst v4  }
0x4e: {  	v4 =	vld [tilespmem:s25+$0xFFFFFFA0];
	[tilespmem:s23+$0x30] =	vst v5  }
0x4f: {  	v5 =	vld [tilespmem:s25+$0xFFFFFFB0];
	[tilespmem:s23+$0x40] =	vst v1  }
0x50: {  	v1 =	vld [tilespmem:s25+$0xFFFFFFC0];
	[tilespmem:s23+$0x50] =	vst v2  }
0x51: {  	v2 =	vld [tilespmem:s25+$0xFFFFFFD0];
	[tilespmem:s23+$0x60] =	vst v0  }
0x52: {  	v0 =	vld [tilespmem:s25+$0xFFFFFFE0]  }
0x53: {  	v7 =	vld [tilespmem:s25+$0xFFFFFFF0]  }
0x54: {  	v6 =	vld.idx.msk [tilespmem:v6+s4+$0x0], $0xffff  }
0x55: {  	v8 =	vld [tilespmem:s25+$0x0]  }
0x56: {  	v9 =	vld [tilespmem:s25+$0x10]  }
0x57: {  	v10 =	vld [tilespmem:s25+$0x20]  }
0x58: {  	v11 =	vld [tilespmem:s25+$0x30]  }
0x59: {  	s23 =	sadd.s32 $0x100, s23;
	v12 =	vld [tilespmem:s25+$0x40]  }
0x5a: {  	v13 =	vld [tilespmem:s25+$0x50];
	[tilespmem:s23+$0x70] =	vst v6  }
0x5b: {  	v6 =	vld [tilespmem:s25+$0x60]  }
0x5c: {  	v14 =	vld [tilespmem:s25+$0xFFFFFF80]  }
0x5d: {  	v3 =	vld.idx.msk [tilespmem:v3+s4+$0x0], $0xffff  }
0x5e: {  	v4 =	vld.idx.msk [tilespmem:v4+s4+$0x0], $0xffff  }
0x5f: {  	v5 =	vld.idx.msk [tilespmem:v5+s4+$0x0], $0xffff  }
0x60: {  	v1 =	vld.idx.msk [tilespmem:v1+s4+$0x0], $0xffff  }
0x61: {  	v2 =	vld.idx.msk [tilespmem:v2+s4+$0x0], $0xffff  }
0x62: {  	v0 =	vld.idx.msk [tilespmem:v0+s4+$0x0], $0xffff  }
0x63: {  	[tilespmem:s23+$0xFFFFFF90] =	vst v3;
	v7 =	vld.idx.msk [tilespmem:v7+s4+$0x0], $0xffff  }
0x64: {  	v14 =	vld.idx.msk [tilespmem:v14+s4+$0x0], $0xffff;
	[tilespmem:s23+$0xFFFFFFA0] =	vst v4  }
0x65: {  	[tilespmem:s23+$0xFFFFFFB0] =	vst v5;
	v8 =	vld.idx.msk [tilespmem:v8+s4+$0x0], $0xffff  }
0x66: {  	[tilespmem:s23+$0xFFFFFFC0] =	vst v1;
	v3 =	vld.idx.msk [tilespmem:v9+s4+$0x0], $0xffff  }
.Ltmp0:
0x67: {  	[tilespmem:s23+$0xFFFFFFD0] =	vst v2;
	v4 =	vld.idx.msk [tilespmem:v10+s4+$0x0], $0xffff;
	(pc) =	sbr.rel @p2 .LBB2_3-.Ltmp0, $4  }
0x68: {  	[tilespmem:s23+$0xFFFFFFE0] =	vst v0;
	v5 =	vld.idx.msk [tilespmem:v11+s4+$0x0], $0xffff  }
0x69: {  	[tilespmem:s23+$0xFFFFFFF0] =	vst v7;
	v1 =	vld.idx.msk [tilespmem:v12+s4+$0x0], $0xffff  }
0x6a: {  	[tilespmem:s23+$0xFFFFFF80] =	vst v14;
	v2 =	vld.idx.msk [tilespmem:v13+s4+$0x0], $0xffff  }
0x6b: {  	s25 =	sadd.s32 $0x100, s25;
	[tilespmem:s23+$0x0] =	vst v8;
	v0 =	vld.idx.msk [tilespmem:v6+s4+$0x0], $0xffff  }
0x6c: {  	s24 =	sshll.u32 s19, $0x10  }
0x6d: {  	[tilespmem:s23+$0x10] =	vst v3;
	s25 =	sadd.s32 $0xFFF30000, s24  }
0x6e: {  	[tilespmem:s23+$0x20] =	vst v4;
	s25 =	smov.u32 @p1 s24;
	p1 =	seq.s32 s19, $0x19  }
0x6f: {  	s21 =	sshll.u32 s21, $0x9;
	[tilespmem:s23+$0x30] =	vst v5;
	s24 =	sadd.s32 s5, s25;
	s22 =	sadd.s32 @!p1 $0x2, s22  }
0x70: {  	[tilespmem:s23+$0x40] =	vst v1;
	s30 =	sadd.s32 s21, s24;
	s24 =	smulhi.u32 @!p1 $0x4EC4EC4F, s22  }
0x71: {  	[tilespmem:s23+$0x50] =	vst v2  }
0x72: {  	[tilespmem:s23+$0x60] =	vst v0;
	s23 =	sshrl.u32 @!p1 s24, $0x3  }
0x73: {  	s23 =	smul.u32 @!p1 $0x1A, s23  }
0x74: {  	[hbm4b:s30+s4] =	stream.linear.scatter [tilespmem:s13], [sflag:$0x3], $0x1000, $0x38;
	[tilespmem:$0x1E100] =	vst v63  }
0x75: {  	_ =	swait.ge [sflag:s14], $0x1000;
	s22 =	ssub.s32 @!p1 s22, s23  }
0x76: {  	p2 =	seq.s32 @!p1 s19, $0x0;
	[sflag:s14] =	ssyncset.done $0x0;
	s22 =	sshll.u32 @!p1 s22, $0xC  }
0x77: {  	[sflag:s14] =	ssyncadd.s32 $0xFFFFF000;
	s23 =	simm.s32 @!p1 $0x18700;
	s22 =	sadd.s32 @!p1 s22, s3  }
0x78: {  	[tilespmem:s23], [sflag:$0x1] =	stream.linear.gather @!p1 [spmem:s22], $0x1000, $0x38;
	[tilespmem:$0x1E100] =	vst v63  }
0x79: {  	p1 =	por p1, !p2  }
0x7a: {  	_ =	swait.ge @p1 [sflag:s17], $0x1000  }
0x7b: {  	[sflag:s17] =	ssyncset.done @p1 $0x0  }
0x7c: {  	s31 =	simm.s32 $0x19780;
	[sflag:s17] =	ssyncadd.s32 @p1 $0xFFFFF000  }
0x7d: {  	v0 =	vld [tilespmem:s31+$0x70]  }
0x7e: {  	v1 =	vld [tilespmem:s31+$0xFFFFFF90]  }
0x7f: {  	v2 =	vld [tilespmem:s31+$0xFFFFFFA0]  }
0x80: {  	v3 =	vld [tilespmem:s31+$0xFFFFFFB0]  }
0x81: {  	v4 =	vld [tilespmem:s31+$0xFFFFFFC0]  }
0x82: {  	v5 =	vld [tilespmem:s31+$0xFFFFFFD0]  }
0x83: {  	v6 =	vld [tilespmem:s31+$0xFFFFFFE0]  }
0x84: {  	v7 =	vld [tilespmem:s31+$0xFFFFFFF0]  }
0x85: {  	v8 =	vld [tilespmem:s31+$0x0]  }
0x86: {  	v9 =	vld [tilespmem:s31+$0x10]  }
0x87: {  	v10 =	vld [tilespmem:s31+$0x20]  }
0x88: {  	v11 =	vld [tilespmem:s31+$0x30]  }
0x89: {  	v12 =	vld [tilespmem:s31+$0x40]  }
0x8a: {  	v13 =	vld [tilespmem:s31+$0x50]  }
0x8b: {  	v14 =	vld [tilespmem:s31+$0x60]  }
0x8c: {  	v15 =	vld [tilespmem:s31+$0xFFFFFF80]  }
0x8d: {  	v0 =	vld.idx.msk [tilespmem:v0+s4+$0x0], $0xffff  }
0x8e: {  	v1 =	vld.idx.msk [tilespmem:v1+s4+$0x0], $0xffff  }
0x8f: {  	v2 =	vld.idx.msk [tilespmem:v2+s4+$0x0], $0xffff  }
0x90: {  	v3 =	vld.idx.msk [tilespmem:v3+s4+$0x0], $0xffff  }
0x91: {  	v4 =	vld.idx.msk [tilespmem:v4+s4+$0x0], $0xffff  }
0x92: {  	s22 =	simm.s32 $0x1B780;
	v5 =	vld.idx.msk [tilespmem:v5+s4+$0x0], $0xffff  }
0x93: {  	v6 =	vld.idx.msk [tilespmem:v6+s4+$0x0], $0xffff;
	[tilespmem:s22+$0x70] =	vst v0  }
0x94: {  	v7 =	vld.idx.msk [tilespmem:v7+s4+$0x0], $0xffff;
	[tilespmem:s22+$0xFFFFFF90] =	vst v1  }
0x95: {  	v15 =	vld.idx.msk [tilespmem:v15+s4+$0x0], $0xffff;
	[tilespmem:s22+$0xFFFFFFA0] =	vst v2  }
0x96: {  	v8 =	vld.idx.msk [tilespmem:v8+s4+$0x0], $0xffff;
	[tilespmem:s22+$0xFFFFFFB0] =	vst v3  }
0x97: {  	[tilespmem:s22+$0xFFFFFFC0] =	vst v4;
	v0 =	vld.idx.msk [tilespmem:v9+s4+$0x0], $0xffff  }
0x98: {  	[tilespmem:s22+$0xFFFFFFD0] =	vst v5;
	v1 =	vld.idx.msk [tilespmem:v10+s4+$0x0], $0xffff  }
0x99: {  	[tilespmem:s22+$0xFFFFFFE0] =	vst v6;
	v2 =	vld.idx.msk [tilespmem:v11+s4+$0x0], $0xffff  }
0x9a: {  	[tilespmem:s22+$0xFFFFFFF0] =	vst v7;
	v3 =	vld.idx.msk [tilespmem:v12+s4+$0x0], $0xffff  }
0x9b: {  	[tilespmem:s22+$0xFFFFFF80] =	vst v15;
	v4 =	vld.idx.msk [tilespmem:v13+s4+$0x0], $0xffff  }
0x9c: {  	s24 =	simm.s32 $0x19880;
	s23 =	simm.s32 $0x0;
	[tilespmem:s22+$0x0] =	vst v8;
	v5 =	vld.idx.msk [tilespmem:v14+s4+$0x0], $0xffff  }
.LBB2_5:
0x9d: {  	v6 =	vld [tilespmem:s24+$0x70];
	s23 =	sadd.s32 $0x100, s23;
	[tilespmem:s22+$0x10] =	vst v0  }
0x9e: {  	v0 =	vld [tilespmem:s24+$0xFFFFFF90];
	p1 =	slt.u32 s23, $0xF00;
	[tilespmem:s22+$0x20] =	vst v1  }
0x9f: {  	v1 =	vld [tilespmem:s24+$0xFFFFFFA0];
	[tilespmem:s22+$0x30] =	vst v2  }
0xa0: {  	v2 =	vld [tilespmem:s24+$0xFFFFFFB0];
	[tilespmem:s22+$0x40] =	vst v3  }
0xa1: {  	v3 =	vld [tilespmem:s24+$0xFFFFFFC0];
	[tilespmem:s22+$0x50] =	vst v4  }
0xa2: {  	v4 =	vld [tilespmem:s24+$0xFFFFFFD0];
	[tilespmem:s22+$0x60] =	vst v5  }
0xa3: {  	v5 =	vld [tilespmem:s24+$0xFFFFFFE0]  }
0xa4: {  	v7 =	vld [tilespmem:s24+$0xFFFFFFF0]  }
0xa5: {  	v6 =	vld.idx.msk [tilespmem:v6+s4+$0x0], $0xffff  }
0xa6: {  	v8 =	vld [tilespmem:s24+$0x0]  }
0xa7: {  	v9 =	vld [tilespmem:s24+$0x10]  }
0xa8: {  	v10 =	vld [tilespmem:s24+$0x20]  }
0xa9: {  	v11 =	vld [tilespmem:s24+$0x30]  }
0xaa: {  	s22 =	sadd.s32 $0x100, s22;
	v12 =	vld [tilespmem:s24+$0x40]  }
0xab: {  	v13 =	vld [tilespmem:s24+$0x50];
	[tilespmem:s22+$0x70] =	vst v6  }
0xac: {  	v6 =	vld [tilespmem:s24+$0x60]  }
0xad: {  	v14 =	vld [tilespmem:s24+$0xFFFFFF80]  }
0xae: {  	v0 =	vld.idx.msk [tilespmem:v0+s4+$0x0], $0xffff  }
0xaf: {  	v1 =	vld.idx.msk [tilespmem:v1+s4+$0x0], $0xffff  }
0xb0: {  	v2 =	vld.idx.msk [tilespmem:v2+s4+$0x0], $0xffff  }
0xb1: {  	v3 =	vld.idx.msk [tilespmem:v3+s4+$0x0], $0xffff  }
0xb2: {  	v4 =	vld.idx.msk [tilespmem:v4+s4+$0x0], $0xffff  }
0xb3: {  	v5 =	vld.idx.msk [tilespmem:v5+s4+$0x0], $0xffff  }
0xb4: {  	[tilespmem:s22+$0xFFFFFF90] =	vst v0;
	v7 =	vld.idx.msk [tilespmem:v7+s4+$0x0], $0xffff  }
0xb5: {  	v14 =	vld.idx.msk [tilespmem:v14+s4+$0x0], $0xffff;
	[tilespmem:s22+$0xFFFFFFA0] =	vst v1  }
0xb6: {  	[tilespmem:s22+$0xFFFFFFB0] =	vst v2;
	v8 =	vld.idx.msk [tilespmem:v8+s4+$0x0], $0xffff  }
0xb7: {  	[tilespmem:s22+$0xFFFFFFC0] =	vst v3;
	v0 =	vld.idx.msk [tilespmem:v9+s4+$0x0], $0xffff  }
.Ltmp1:
0xb8: {  	[tilespmem:s22+$0xFFFFFFD0] =	vst v4;
	v1 =	vld.idx.msk [tilespmem:v10+s4+$0x0], $0xffff;
	(pc) =	sbr.rel @p1 .LBB2_5-.Ltmp1, $4  }
0xb9: {  	[tilespmem:s22+$0xFFFFFFE0] =	vst v5;
	v2 =	vld.idx.msk [tilespmem:v11+s4+$0x0], $0xffff  }
0xba: {  	[tilespmem:s22+$0xFFFFFFF0] =	vst v7;
	v3 =	vld.idx.msk [tilespmem:v12+s4+$0x0], $0xffff  }
0xbb: {  	[tilespmem:s22+$0xFFFFFF80] =	vst v14;
	v4 =	vld.idx.msk [tilespmem:v13+s4+$0x0], $0xffff  }
0xbc: {  	s24 =	sadd.s32 $0x100, s24;
	[tilespmem:s22+$0x0] =	vst v8;
	v5 =	vld.idx.msk [tilespmem:v6+s4+$0x0], $0xffff  }
0xbd: {  	[tilespmem:s22+$0x10] =	vst v0;
	s19 =	sadd.s32 $0x1, s19  }
0xbe: {  	[tilespmem:s22+$0x20] =	vst v1;
	p1 =	sne.s32 s19, $0x1A  }
.Ltmp2:
0xbf: {  	[tilespmem:s22+$0x30] =	vst v2;
	(pc) =	sbr.rel @p1 .LBB2_2-.Ltmp2, $4  }
0xc0: {  	s20 =	sshll.u32 s20, $0xF;
	[tilespmem:s22+$0x40] =	vst v3  }
0xc1: {  	s20 =	sadd.s32 s5, s20;
	[tilespmem:s22+$0x50] =	vst v4  }
0xc2: {  	s20 =	sadd.s32 s21, s20;
	[tilespmem:s22+$0x60] =	vst v5  }
0xc3: {  	[hbm4b:s20+s4] =	stream.linear.scatter [tilespmem:s15], [sflag:$0x4], $0x1000, $0x38;
	[tilespmem:$0x1E100] =	vst v63  }
0xc4: {  	s18 =	sadd.s32 $0x1, s18  }
0xc5: {  	_ =	swait.ge [sflag:s16], $0x1000;
	p1 =	sne.s32 s18, s8  }
.Ltmp3:
0xc6: {  	[sflag:s16] =	ssyncset.done $0x0;
	(pc) =	sbr.rel @p1 .LBB2_1-.Ltmp3, $4  }
0xc7: {  	[sflag:s16] =	ssyncadd.s32 $0xFFFFF000  }
0xc8: {  	_ =	swait.ge [sflag:s17], $0x1000  }
0xc9: {  	[sflag:s17] =	ssyncset.done $0x0  }
0xca: {  	[sflag:s17] =	ssyncadd.s32 $0xFFFFF000  }
0xcb: {  	_ =	sfence.sel $0x180000  }
0xcc: {  	[bflag:$0x0] =	sbarrier.arrive $0xFFFF  }
0xcd: {  	_ =	strace $0x90000047  }
0xce: {  	s0 =	sadd.s32 @!p0 $0x100000, s0;
	[bflag:$0x2] =	sbarrier.arrive $0xFFFF  }
0xcf: {  	[sflag:s0] =	ssyncadd.tile.s32 @!p0 $0x1;
	_ =	shalt  }
.Lfunc_end2:
_tile_overlayer_lowered:
.L_overlay_start_2:
0xd0: {  	(tag) =	ssettag $0x2  }
0xd1: {  	s0 =	rddreg [dreg:$0x0];
	s2 =	stileid.u32  }
0xd2: {  	s1 =	rddreg [dreg:$0x1];
	p0 =	sne.s32 s2, $0x0  }
0xd3: {  	s3 =	rddreg [dreg:$0x2];
	[bflag:$0x3] =	sbarrier.arrive $0xFFFF;
	s2 =	simm.s32 @!p0 $0x1C05  }
0xd4: {  	[timem:s3], [sflag:s2] =	dma.local @!p0 [hbm:s0], s1  }
0xd5: {  	s0 =	simm.s32 @!p0 $0x5  }
0xd6: {  	_ =	swait.ge @!p0 [sflag:s0], s1  }
0xd7: {  	s1 =	ssub.s32 @!p0 $0x0, s1;
	[sflag:s0] =	ssyncset.done @!p0 $0x0  }
0xd8: {  	[sflag:s0] =	ssyncadd.s32 @!p0 s1  }
0xd9: {  	[bflag:$0x3] =	sbarrier.arrive $0xFFFF  }
0xda: {  	_ =	shalt  }

</sc_bundles>
